<compile_context>
chip_gen: v7x
topology: tpu7x:2x2x1
jax: 0.10.2.dev20260603
libtpu: 0.0.44.dev20260713+nightly
codegen_flags: <defaults>
</compile_context>

<pallas_src>
import functools

import jax
import jax.numpy as jnp
import numpy as np
from jax import lax
from jax.experimental import pallas as pl
from jax.experimental.pallas import tpu as pltpu
from jax.experimental.pallas import tpu_sc as plsc

N_SPECIAL = 25
S = 20
KR = 400
GW = 128


def _gelu_exact(x):
    return 0.5 * x * (1.0 + lax.erf(x * np.float32(1.0 / np.sqrt(2.0))))


def _table_body(fe_ref, lnw_ref, lnb_ref, w1_ref, b1_ref, w2_ref, b2_ref,
                out_ref):
    fe = fe_ref[...]
    mu = jnp.mean(fe, axis=1, keepdims=True)
    var = jnp.mean(fe * fe, axis=1, keepdims=True) - mu * mu
    xn = (fe - mu) * lax.rsqrt(var + 1e-5) * lnw_ref[...] + lnb_ref[...]
    h = lax.dot_general(xn.astype(jnp.bfloat16),
                        w1_ref[...].astype(jnp.bfloat16),
                        (((1,), (0,)), ((), ())),
                        preferred_element_type=jnp.float32) + b1_ref[...]
    h = _gelu_exact(h)
    logits = jnp.sum(h * w2_ref[...], axis=1, keepdims=True) + b2_ref[...]
    gate = jax.nn.sigmoid(logits)
    out_ref[...] = jnp.broadcast_to(gate, (KR, GW))


def _sc_gather_body(table_hbm, ids_hbm, out_hbm, ids_v, idx_v, rows_v, sem,
                    *, nc, chunk):
    wid = lax.axis_index("s") * nc + lax.axis_index("c")
    base = wid * chunk
    pltpu.sync_copy(ids_hbm.at[pl.ds(base, chunk)], ids_v)
    for r in range(chunk // 16):
        v = ids_v[pl.ds(r * 16, 16)]
        idx_v[pl.ds(r * 16, 16)] = jnp.clip(v - N_SPECIAL, 0, KR - 1)
    pltpu.async_copy(table_hbm.at[idx_v], rows_v, sem).wait()
    pltpu.sync_copy(rows_v, out_hbm.at[pl.ds(base, chunk)])


def _sc_gate_gather(table, ids_flat):
    n_tok = ids_flat.shape[0]
    info = plsc.get_sparse_core_info()
    nc, ns = info.num_cores, info.num_subcores
    chunk = n_tok // (nc * ns)
    mesh = plsc.VectorSubcoreMesh(core_axis_name="c", subcore_axis_name="s")
    return pl.kernel(
        functools.partial(_sc_gather_body, nc=nc, chunk=chunk),
        mesh=mesh,
        out_type=jax.ShapeDtypeStruct((n_tok, GW), jnp.float32),
        scratch_types=[
            pltpu.VMEM((chunk,), jnp.int32),
            pltpu.VMEM((chunk,), jnp.int32),
            pltpu.VMEM((chunk, GW), jnp.float32),
            pltpu.SemaphoreType.DMA,
        ],
    )(table, ids_flat)


def _main_body(ids_ref, gate_ref, shp_ref, sp_ref, fe_ref, out_ref,
               feb_scr, *, msl):
    i = pl.program_id(0)
    L = out_ref.shape[1]

    @pl.when(i == 0)
    def _cast():
        feb_scr[...] = fe_ref[...].astype(jnp.bfloat16)

    ids = ids_ref[0]
    idr = ids - N_SPECIAL
    gate = gate_ref[0][:, :1]
    krow = lax.broadcasted_iota(jnp.int32, (1, KR), 1)
    smask = idr == krow
    spec = ids < N_SPECIAL
    jcol = lax.broadcasted_iota(jnp.int32, (L, 1), 0)
    regv = jnp.logical_and(jnp.logical_not(spec),
                           jnp.logical_and(jcol >= 1, jcol <= msl))
    regf = regv.astype(jnp.float32)
    ca = regf * (1.0 - gate)
    cb = regf * gate
    shp_shift = jnp.concatenate(
        [jnp.zeros((1, S), jnp.float32), shp_ref[0],
         jnp.zeros((L - 1 - msl, S), jnp.float32)], axis=0)
    kcol = lax.broadcasted_iota(jnp.int32, (KR, 1), 0)
    srow = lax.broadcasted_iota(jnp.int32, (1, S), 1)
    rrep = (kcol % S == srow).astype(jnp.float32)
    shpt = lax.dot_general(shp_shift, rrep, (((1,), (1,)), ((), ())),
                           preferred_element_type=jnp.float32)
    mmask = jnp.maximum(idr, 0) // S == krow // S
    wreg = jnp.where(smask, ca, 0.0) + jnp.where(mmask, cb * shpt, 0.0)
    k26 = lax.broadcasted_iota(jnp.int32, (1, sp_ref.shape[0]), 1)
    wsp = jnp.logical_and(ids == k26, spec).astype(jnp.bfloat16)
    out_ref[0] = (
        lax.dot_general(wreg.astype(jnp.bfloat16), feb_scr[...],
                        (((1,), (0,)), ((), ())),
                        preferred_element_type=jnp.float32)
        + lax.dot_general(wsp, sp_ref[...].astype(jnp.bfloat16),
                          (((1,), (0,)), ((), ())),
                          preferred_element_type=jnp.float32))


def kernel(input_ids, shp_tensor, special_embedding, full_embed,
           ln_w, ln_b, W1, b1, W2, b2):
    B, L = input_ids.shape
    D = special_embedding.shape[1]
    n_tok = B * L
    shp_len = shp_tensor.shape[1]
    msl = min(shp_len, L - 2)
    nsp = special_embedding.shape[0]
    fe = full_embed.reshape(KR, D)

    gate_table = pl.pallas_call(
        _table_body,
        in_specs=[pl.BlockSpec((KR, D), lambda: (0, 0)),
                  pl.BlockSpec((1, D), lambda: (0, 0)),
                  pl.BlockSpec((1, D), lambda: (0, 0)),
                  pl.BlockSpec((D, D), lambda: (0, 0)),
                  pl.BlockSpec((1, D), lambda: (0, 0)),
                  pl.BlockSpec((1, D), lambda: (0, 0)),
                  pl.BlockSpec((1, 1), lambda: (0, 0))],
        out_specs=pl.BlockSpec((KR, GW), lambda: (0, 0)),
        out_shape=jax.ShapeDtypeStruct((KR, GW), jnp.float32),
    )(fe, ln_w.reshape(1, D), ln_b.reshape(1, D), W1, b1.reshape(1, D),
      W2.reshape(1, D), b2.reshape(1, 1))

    gate_rows = _sc_gate_gather(gate_table, input_ids.reshape(n_tok))
    gate_rows = gate_rows.reshape(B, L, GW)

    return pl.pallas_call(
        functools.partial(_main_body, msl=msl),
        grid=(B,),
        in_specs=[
            pl.BlockSpec((1, L, 1), lambda i: (i, 0, 0)),
            pl.BlockSpec((1, L, GW), lambda i: (i, 0, 0)),
            pl.BlockSpec((1, shp_len, S), lambda i: (i, 0, 0)),
            pl.BlockSpec((nsp, D), lambda i: (0, 0)),
            pl.BlockSpec((KR, D), lambda i: (0, 0)),
        ],
        out_specs=pl.BlockSpec((1, L, D), lambda i: (i, 0, 0)),
        out_shape=jax.ShapeDtypeStruct((B, L, D), jnp.float32),
        scratch_shapes=[pltpu.VMEM((KR, D), jnp.bfloat16)],
    )(input_ids[..., None], gate_rows, shp_tensor, special_embedding, fe)

# --- scband reference (transcript-rebuilt; emitter-appended) ---
"""Pipeline reference for scband-shpembedding-layer-32530082300509 (READ-ONLY COPY).

The authoritative reference and input builder live on the scoring server;
editing this copy changes nothing except your own understanding.
"""

import jax, jax.numpy as jnp
import numpy as np

VOCAB = 425
N_SPECIAL_POS = 25   # 5 specials + 20 aa+'#' tokens occupy ids 0..24 and map to positions 0..24
N_SEQ = 20
N_STRUCT = 20
D = 1024
B = 2
L = 2048


def setup_inputs(seed: int = 0) -> dict:
    key = jax.random.key(seed)
    ks = jax.random.split(key, 8)
    input_ids = jax.random.randint(ks[0], (B, L), 0, VOCAB, dtype=jnp.int32)
    shp_tensor = jax.random.uniform(ks[1], (B, L - 2, N_STRUCT), dtype=jnp.float32)
    # learned parameters (sized per init: special_embedding has len(special_ids)+21 = 26 rows)
    special_embedding = 0.02 * jax.random.normal(ks[2], (N_SPECIAL_POS + 1, D), dtype=jnp.float32)
    full_embed = 0.02 * jax.random.normal(ks[3], (N_SEQ, N_STRUCT, D), dtype=jnp.float32)
    ln_w = jnp.ones((D,), dtype=jnp.float32)
    ln_b = jnp.zeros((D,), dtype=jnp.float32)
    W1 = 0.02 * jax.random.normal(ks[4], (D, D), dtype=jnp.float32)
    b1 = jnp.zeros((D,), dtype=jnp.float32)
    W2 = 0.02 * jax.random.normal(ks[5], (D, 1), dtype=jnp.float32)
    b2 = jnp.full((1,), -0.85, dtype=jnp.float32)
    return {
        'input_ids': input_ids,
        'shp_tensor': shp_tensor,
        'special_embedding': special_embedding,
        'full_embed': full_embed,
        'ln_w': ln_w,
        'ln_b': ln_b,
        'W1': W1,
        'b1': b1,
        'W2': W2,
        'b2': b2,
    }


def reference(input_ids, shp_tensor, special_embedding, full_embed, ln_w, ln_b, W1, b1, W2, b2):
    Bv, Lv = input_ids.shape
    Dv = special_embedding.shape[1]
    Sv = full_embed.shape[1]
    # special tokens: ids 0..24 map directly to special_embedding rows 0..24
    special_mask = input_ids < N_SPECIAL_POS
    safe_special = jnp.where(special_mask, input_ids, 0)
    out_special = jnp.take(special_embedding, safe_special, axis=0)  # [B, L, D]
    # regular tokens: id >= 25, seq_idx = (id-25)//20, struct_idx = (id-25)%20
    ids_reg = jnp.clip(input_ids - N_SPECIAL_POS, 0, N_SEQ * Sv - 1)
    seq_idx = ids_reg // Sv
    struct_idx = ids_reg % Sv
    E_token = full_embed[seq_idx, struct_idx]          # [B, L, D]
    struct_embeds = jnp.take(full_embed, seq_idx, axis=0)  # [B, L, S, D]
    shp_len = shp_tensor.shape[1]
    max_shp_len = min(shp_len, Lv - 2)
    # position j = offset + 1 holds shp_tensor[:, offset]
    shp_full = jnp.zeros((Bv, Lv, Sv), dtype=shp_tensor.dtype)
    shp_full = shp_full.at[:, 1:1 + max_shp_len, :].set(shp_tensor[:, :max_shp_len, :])
    E_shp = jnp.sum(struct_embeds * shp_full[..., None], axis=2)  # [B, L, D]
    # gate_net: LayerNorm -> Linear -> GELU(exact) -> (Dropout eval=id) -> Linear -> Sigmoid
    mu = jnp.mean(E_token, axis=-1, keepdims=True)
    var = jnp.var(E_token, axis=-1, keepdims=True)
    h = (E_token - mu) / jnp.sqrt(var + 1e-5) * ln_w + ln_b
    h = jax.nn.gelu(h @ W1 + b1, approximate=False)
    gate = jax.nn.sigmoid(h @ W2 + b2)                 # [B, L, 1]
    E_final = gate * E_shp + (1.0 - gate) * E_token
    pos = jnp.arange(Lv)
    reg_write = (~special_mask) & (pos >= 1)[None, :] & (pos <= max_shp_len)[None, :]
    output = jnp.where(special_mask[..., None], out_special,
                       jnp.where(reg_write[..., None], E_final, jnp.zeros((), dtype=E_final.dtype)))
    return output

if __name__ == "__main__":
    import jax
    _d = setup_inputs()
    print(jax.jit(kernel)(*tuple(_d.values())))

</pallas_src>

<mosaic_0001>
#map = affine_map<(d0, d1) -> (0, 0)>
#map1 = affine_map<(d0, d1) -> (0)>
module attributes {stable_mosaic.version = 14 : i64} {
  func.func @_sc_gather_body(%arg0: i32, %arg1: i32, %arg2: memref<400x128xf32, #tpu.memory_space<hbm>>, %arg3: memref<4096xi32, #tpu.memory_space<hbm>>, %arg4: memref<4096x128xf32, #tpu.memory_space<hbm>>, %arg5: memref<128xi32, #tpu.memory_space<vmem>>, %arg6: memref<128xi32, #tpu.memory_space<vmem>>, %arg7: memref<128x128xf32, #tpu.memory_space<vmem>>, %arg8: memref<!tpu.dma_semaphore, #tpu.memory_space<semaphore_mem>>) attributes {dimension_semantics = [#tpu.dimension_semantics<core_parallel>, #tpu.dimension_semantics<subcore_parallel>], iteration_bounds = array<i64: 2, 16>, scalar_prefetch = 0 : i64, scratch_operands = 4 : i64, tpu.core_type = #tpu.core_type<sc_vector_subcore>, window_params = [{transform_indices = #map}, {transform_indices = #map1}, {transform_indices = #map}]} {
    %mul3A = arith.constant 2 : i32
    %mul3A_0 = arith.muli %arg1, %mul3A : i32
    %add3A = arith.addi %mul3A_0, %arg0 : i32
    %mul3A_1 = arith.constant 128 : i32
    %mul3A_2 = arith.muli %add3A, %mul3A_1 : i32
    "tpu.region"() ({
      %run_scoped3A = tpu.sem_alloc : memref<!tpu.dma_semaphore, #tpu.memory_space<semaphore_mem>>
      %dma_start3A_129 = tpu.memref_slice %arg3[%mul3A_2] : memref<4096xi32, #tpu.memory_space<hbm>> -> memref<128xi32, #tpu.memory_space<hbm>>
      %dma_start3A_130 = tpu.memref_slice %arg3[%mul3A_2] : memref<4096xi32, #tpu.memory_space<hbm>> -> memref<128xi32, #tpu.memory_space<hbm>>
      tpu.enqueue_dma source(%dma_start3A_130 : memref<128xi32, #tpu.memory_space<hbm>>) target(%arg5 : memref<128xi32, #tpu.memory_space<vmem>>) target_semaphore(%run_scoped3A : memref<!tpu.dma_semaphore, #tpu.memory_space<semaphore_mem>>)
      %dma_wait3A_131 = tpu.memref_slice %arg3[%mul3A_2] : memref<4096xi32, #tpu.memory_space<hbm>> -> memref<128xi32, #tpu.memory_space<hbm>>
      %dma_wait3A_132 = tpu.memref_slice %arg3[%mul3A_2] : memref<4096xi32, #tpu.memory_space<hbm>> -> memref<128xi32, #tpu.memory_space<hbm>>
      tpu.wait_dma2 semaphore(%run_scoped3A : memref<!tpu.dma_semaphore, #tpu.memory_space<semaphore_mem>>) src(%dma_wait3A_132 : memref<128xi32, #tpu.memory_space<hbm>>) dst(%arg5 : memref<128xi32, #tpu.memory_space<vmem>>)
      tpu.yield
    }) : () -> ()
    %get3A = arith.constant 0 : index
    %get3A_3 = tpu.vector_load %arg5[%get3A] {strides = array<i32>} : memref<128xi32, #tpu.memory_space<vmem>>, vector<16xi32>,
    %get3A_4 = vector.shape_cast %get3A_3 : vector<16xi32> to vector<16xi32>
    %sub3A = arith.constant 25 : i32
    %sub3A_5 = vector.broadcast %sub3A : i32 to vector<16xi32>
    %sub3A_6 = arith.subi %get3A_4, %sub3A_5 : vector<16xi32>
    %jit3A = arith.constant 0 : i32
    %jit3A_7 = arith.constant 399 : i32
    %max3A = vector.broadcast %jit3A : i32 to vector<16xi32>
    %max3A_8 = arith.maxsi %max3A, %sub3A_6 : vector<16xi32>
    %min3A = vector.broadcast %jit3A_7 : i32 to vector<16xi32>
    %min3A_9 = arith.minsi %min3A, %max3A_8 : vector<16xi32>
    %swap3A = arith.constant 0 : index
    %swap3A_10 = tpu.vector_load %arg6[%swap3A] {strides = array<i32>} : memref<128xi32, #tpu.memory_space<vmem>>, vector<16xi32>,
    %swap3A_11 = vector.shape_cast %swap3A_10 : vector<16xi32> to vector<16xi32>
    %swap3A_12 = vector.shape_cast %min3A_9 : vector<16xi32> to vector<16xi32>
    tpu.vector_store %arg6[%swap3A], %swap3A_12 {strides = array<i32>} : memref<128xi32, #tpu.memory_space<vmem>>, vector<16xi32>,
    %get3A_13 = arith.constant 16 : index
    %get3A_14 = tpu.vector_load %arg5[%get3A_13] {strides = array<i32>} : memref<128xi32, #tpu.memory_space<vmem>>, vector<16xi32>,
    %get3A_15 = vector.shape_cast %get3A_14 : vector<16xi32> to vector<16xi32>
    %sub3A_16 = arith.constant 25 : i32
    %sub3A_17 = vector.broadcast %sub3A_16 : i32 to vector<16xi32>
    %sub3A_18 = arith.subi %get3A_15, %sub3A_17 : vector<16xi32>
    %jit3A_19 = arith.constant 0 : i32
    %jit3A_20 = arith.constant 399 : i32
    %max3A_21 = vector.broadcast %jit3A_19 : i32 to vector<16xi32>
    %max3A_22 = arith.maxsi %max3A_21, %sub3A_18 : vector<16xi32>
    %min3A_23 = vector.broadcast %jit3A_20 : i32 to vector<16xi32>
    %min3A_24 = arith.minsi %min3A_23, %max3A_22 : vector<16xi32>
    %swap3A_25 = arith.constant 16 : index
    %swap3A_26 = tpu.vector_load %arg6[%swap3A_25] {strides = array<i32>} : memref<128xi32, #tpu.memory_space<vmem>>, vector<16xi32>,
    %swap3A_27 = vector.shape_cast %swap3A_26 : vector<16xi32> to vector<16xi32>
    %swap3A_28 = vector.shape_cast %min3A_24 : vector<16xi32> to vector<16xi32>
    tpu.vector_store %arg6[%swap3A_25], %swap3A_28 {strides = array<i32>} : memref<128xi32, #tpu.memory_space<vmem>>, vector<16xi32>,
    %get3A_29 = arith.constant 32 : index
    %get3A_30 = tpu.vector_load %arg5[%get3A_29] {strides = array<i32>} : memref<128xi32, #tpu.memory_space<vmem>>, vector<16xi32>,
    %get3A_31 = vector.shape_cast %get3A_30 : vector<16xi32> to vector<16xi32>
    %sub3A_32 = arith.constant 25 : i32
    %sub3A_33 = vector.broadcast %sub3A_32 : i32 to vector<16xi32>
    %sub3A_34 = arith.subi %get3A_31, %sub3A_33 : vector<16xi32>
    %jit3A_35 = arith.constant 0 : i32
    %jit3A_36 = arith.constant 399 : i32
    %max3A_37 = vector.broadcast %jit3A_35 : i32 to vector<16xi32>
    %max3A_38 = arith.maxsi %max3A_37, %sub3A_34 : vector<16xi32>
    %min3A_39 = vector.broadcast %jit3A_36 : i32 to vector<16xi32>
    %min3A_40 = arith.minsi %min3A_39, %max3A_38 : vector<16xi32>
    %swap3A_41 = arith.constant 32 : index
    %swap3A_42 = tpu.vector_load %arg6[%swap3A_41] {strides = array<i32>} : memref<128xi32, #tpu.memory_space<vmem>>, vector<16xi32>,
    %swap3A_43 = vector.shape_cast %swap3A_42 : vector<16xi32> to vector<16xi32>
    %swap3A_44 = vector.shape_cast %min3A_40 : vector<16xi32> to vector<16xi32>
    tpu.vector_store %arg6[%swap3A_41], %swap3A_44 {strides = array<i32>} : memref<128xi32, #tpu.memory_space<vmem>>, vector<16xi32>,
    %get3A_45 = arith.constant 48 : index
    %get3A_46 = tpu.vector_load %arg5[%get3A_45] {strides = array<i32>} : memref<128xi32, #tpu.memory_space<vmem>>, vector<16xi32>,
    %get3A_47 = vector.shape_cast %get3A_46 : vector<16xi32> to vector<16xi32>
    %sub3A_48 = arith.constant 25 : i32
    %sub3A_49 = vector.broadcast %sub3A_48 : i32 to vector<16xi32>
    %sub3A_50 = arith.subi %get3A_47, %sub3A_49 : vector<16xi32>
    %jit3A_51 = arith.constant 0 : i32
    %jit3A_52 = arith.constant 399 : i32
    %max3A_53 = vector.broadcast %jit3A_51 : i32 to vector<16xi32>
    %max3A_54 = arith.maxsi %max3A_53, %sub3A_50 : vector<16xi32>
    %min3A_55 = vector.broadcast %jit3A_52 : i32 to vector<16xi32>
    %min3A_56 = arith.minsi %min3A_55, %max3A_54 : vector<16xi32>
    %swap3A_57 = arith.constant 48 : index
    %swap3A_58 = tpu.vector_load %arg6[%swap3A_57] {strides = array<i32>} : memref<128xi32, #tpu.memory_space<vmem>>, vector<16xi32>,
    %swap3A_59 = vector.shape_cast %swap3A_58 : vector<16xi32> to vector<16xi32>
    %swap3A_60 = vector.shape_cast %min3A_56 : vector<16xi32> to vector<16xi32>
    tpu.vector_store %arg6[%swap3A_57], %swap3A_60 {strides = array<i32>} : memref<128xi32, #tpu.memory_space<vmem>>, vector<16xi32>,
    %get3A_61 = arith.constant 64 : index
    %get3A_62 = tpu.vector_load %arg5[%get3A_61] {strides = array<i32>} : memref<128xi32, #tpu.memory_space<vmem>>, vector<16xi32>,
    %get3A_63 = vector.shape_cast %get3A_62 : vector<16xi32> to vector<16xi32>
    %sub3A_64 = arith.constant 25 : i32
    %sub3A_65 = vector.broadcast %sub3A_64 : i32 to vector<16xi32>
    %sub3A_66 = arith.subi %get3A_63, %sub3A_65 : vector<16xi32>
    %jit3A_67 = arith.constant 0 : i32
    %jit3A_68 = arith.constant 399 : i32
    %max3A_69 = vector.broadcast %jit3A_67 : i32 to vector<16xi32>
    %max3A_70 = arith.maxsi %max3A_69, %sub3A_66 : vector<16xi32>
    %min3A_71 = vector.broadcast %jit3A_68 : i32 to vector<16xi32>
    %min3A_72 = arith.minsi %min3A_71, %max3A_70 : vector<16xi32>
    %swap3A_73 = arith.constant 64 : index
    %swap3A_74 = tpu.vector_load %arg6[%swap3A_73] {strides = array<i32>} : memref<128xi32, #tpu.memory_space<vmem>>, vector<16xi32>,
    %swap3A_75 = vector.shape_cast %swap3A_74 : vector<16xi32> to vector<16xi32>
    %swap3A_76 = vector.shape_cast %min3A_72 : vector<16xi32> to vector<16xi32>
    tpu.vector_store %arg6[%swap3A_73], %swap3A_76 {strides = array<i32>} : memref<128xi32, #tpu.memory_space<vmem>>, vector<16xi32>,
    %get3A_77 = arith.constant 80 : index
    %get3A_78 = tpu.vector_load %arg5[%get3A_77] {strides = array<i32>} : memref<128xi32, #tpu.memory_space<vmem>>, vector<16xi32>,
    %get3A_79 = vector.shape_cast %get3A_78 : vector<16xi32> to vector<16xi32>
    %sub3A_80 = arith.constant 25 : i32
    %sub3A_81 = vector.broadcast %sub3A_80 : i32 to vector<16xi32>
    %sub3A_82 = arith.subi %get3A_79, %sub3A_81 : vector<16xi32>
    %jit3A_83 = arith.constant 0 : i32
    %jit3A_84 = arith.constant 399 : i32
    %max3A_85 = vector.broadcast %jit3A_83 : i32 to vector<16xi32>
    %max3A_86 = arith.maxsi %max3A_85, %sub3A_82 : vector<16xi32>
    %min3A_87 = vector.broadcast %jit3A_84 : i32 to vector<16xi32>
    %min3A_88 = arith.minsi %min3A_87, %max3A_86 : vector<16xi32>
    %swap3A_89 = arith.constant 80 : index
    %swap3A_90 = tpu.vector_load %arg6[%swap3A_89] {strides = array<i32>} : memref<128xi32, #tpu.memory_space<vmem>>, vector<16xi32>,
    %swap3A_91 = vector.shape_cast %swap3A_90 : vector<16xi32> to vector<16xi32>
    %swap3A_92 = vector.shape_cast %min3A_88 : vector<16xi32> to vector<16xi32>
    tpu.vector_store %arg6[%swap3A_89], %swap3A_92 {strides = array<i32>} : memref<128xi32, #tpu.memory_space<vmem>>, vector<16xi32>,
    %get3A_93 = arith.constant 96 : index
    %get3A_94 = tpu.vector_load %arg5[%get3A_93] {strides = array<i32>} : memref<128xi32, #tpu.memory_space<vmem>>, vector<16xi32>,
    %get3A_95 = vector.shape_cast %get3A_94 : vector<16xi32> to vector<16xi32>
    %sub3A_96 = arith.constant 25 : i32
    %sub3A_97 = vector.broadcast %sub3A_96 : i32 to vector<16xi32>
    %sub3A_98 = arith.subi %get3A_95, %sub3A_97 : vector<16xi32>
    %jit3A_99 = arith.constant 0 : i32
    %jit3A_100 = arith.constant 399 : i32
    %max3A_101 = vector.broadcast %jit3A_99 : i32 to vector<16xi32>
    %max3A_102 = arith.maxsi %max3A_101, %sub3A_98 : vector<16xi32>
    %min3A_103 = vector.broadcast %jit3A_100 : i32 to vector<16xi32>
    %min3A_104 = arith.minsi %min3A_103, %max3A_102 : vector<16xi32>
    %swap3A_105 = arith.constant 96 : index
    %swap3A_106 = tpu.vector_load %arg6[%swap3A_105] {strides = array<i32>} : memref<128xi32, #tpu.memory_space<vmem>>, vector<16xi32>,
    %swap3A_107 = vector.shape_cast %swap3A_106 : vector<16xi32> to vector<16xi32>
    %swap3A_108 = vector.shape_cast %min3A_104 : vector<16xi32> to vector<16xi32>
    tpu.vector_store %arg6[%swap3A_105], %swap3A_108 {strides = array<i32>} : memref<128xi32, #tpu.memory_space<vmem>>, vector<16xi32>,
    %get3A_109 = arith.constant 112 : index
    %get3A_110 = tpu.vector_load %arg5[%get3A_109] {strides = array<i32>} : memref<128xi32, #tpu.memory_space<vmem>>, vector<16xi32>,
    %get3A_111 = vector.shape_cast %get3A_110 : vector<16xi32> to vector<16xi32>
    %sub3A_112 = arith.constant 25 : i32
    %sub3A_113 = vector.broadcast %sub3A_112 : i32 to vector<16xi32>
    %sub3A_114 = arith.subi %get3A_111, %sub3A_113 : vector<16xi32>
    %jit3A_115 = arith.constant 0 : i32
    %jit3A_116 = arith.constant 399 : i32
    %max3A_117 = vector.broadcast %jit3A_115 : i32 to vector<16xi32>
    %max3A_118 = arith.maxsi %max3A_117, %sub3A_114 : vector<16xi32>
    %min3A_119 = vector.broadcast %jit3A_116 : i32 to vector<16xi32>
    %min3A_120 = arith.minsi %min3A_119, %max3A_118 : vector<16xi32>
    %swap3A_121 = arith.constant 112 : index
    %swap3A_122 = tpu.vector_load %arg6[%swap3A_121] {strides = array<i32>} : memref<128xi32, #tpu.memory_space<vmem>>, vector<16xi32>,
    %swap3A_123 = vector.shape_cast %swap3A_122 : vector<16xi32> to vector<16xi32>
    %swap3A_124 = vector.shape_cast %min3A_120 : vector<16xi32> to vector<16xi32>
    tpu.vector_store %arg6[%swap3A_121], %swap3A_124 {strides = array<i32>} : memref<128xi32, #tpu.memory_space<vmem>>, vector<16xi32>,
    %dma_start3A = arith.constant 0 : i32
    %dma_start3A_125 = arith.constant 0 : i32
    %dma_start3A_126 = tpu.memref_slice %arg2[%dma_start3A, %dma_start3A_125] : memref<400x128xf32, #tpu.memory_space<hbm>> -> memref<400x128xf32, #tpu.memory_space<hbm>>
    tpu.enqueue_indirect_dma source(%dma_start3A_126 : memref<400x128xf32, #tpu.memory_space<hbm>>) target(%arg7 : memref<128x128xf32, #tpu.memory_space<vmem>>) offsets(%arg6 : memref<128xi32, #tpu.memory_space<vmem>>) semaphore(%arg8 : memref<!tpu.dma_semaphore, #tpu.memory_space<semaphore_mem>>)
    %dma_wait3A = arith.constant 0 : i32
    %dma_wait3A_127 = arith.constant 0 : i32
    %dma_wait3A_128 = tpu.memref_slice %arg2[%dma_wait3A, %dma_wait3A_127] : memref<400x128xf32, #tpu.memory_space<hbm>> -> memref<400x128xf32, #tpu.memory_space<hbm>>
    tpu.wait_indirect_dma semaphore(%arg8 : memref<!tpu.dma_semaphore, #tpu.memory_space<semaphore_mem>>) src(%dma_wait3A_128 : memref<400x128xf32, #tpu.memory_space<hbm>>) dst(%arg7 : memref<128x128xf32, #tpu.memory_space<vmem>>)
    "tpu.region"() ({
      %run_scoped3A = tpu.sem_alloc : memref<!tpu.dma_semaphore, #tpu.memory_space<semaphore_mem>>
      %dma_start3A_129 = arith.constant 0 : i32
      %dma_start3A_130 = tpu.memref_slice %arg4[%mul3A_2, %dma_start3A_129] : memref<4096x128xf32, #tpu.memory_space<hbm>> -> memref<128x128xf32, #tpu.memory_space<hbm>>
      %dma_start3A_131 = arith.constant 0 : i32
      %dma_start3A_132 = tpu.memref_slice %arg4[%mul3A_2, %dma_start3A_131] : memref<4096x128xf32, #tpu.memory_space<hbm>> -> memref<128x128xf32, #tpu.memory_space<hbm>>
      tpu.enqueue_dma source(%arg7 : memref<128x128xf32, #tpu.memory_space<vmem>>) target(%dma_start3A_132 : memref<128x128xf32, #tpu.memory_space<hbm>>) target_semaphore(%run_scoped3A : memref<!tpu.dma_semaphore, #tpu.memory_space<semaphore_mem>>)
      %dma_wait3A_133 = arith.constant 0 : i32
      %dma_wait3A_134 = tpu.memref_slice %arg4[%mul3A_2, %dma_wait3A_133] : memref<4096x128xf32, #tpu.memory_space<hbm>> -> memref<128x128xf32, #tpu.memory_space<hbm>>
      %dma_wait3A_135 = arith.constant 0 : i32
      %dma_wait3A_136 = tpu.memref_slice %arg4[%mul3A_2, %dma_wait3A_135] : memref<4096x128xf32, #tpu.memory_space<hbm>> -> memref<128x128xf32, #tpu.memory_space<hbm>>
      tpu.wait_dma2 semaphore(%run_scoped3A : memref<!tpu.dma_semaphore, #tpu.memory_space<semaphore_mem>>) src(%arg7 : memref<128x128xf32, #tpu.memory_space<vmem>>) dst(%dma_wait3A_136 : memref<128x128xf32, #tpu.memory_space<hbm>>)
      tpu.yield
    }) : () -> ()
    return
  }
}

module attributes {stable_mosaic.version = 14 : i64} {
  func.func @_table_body(%arg0: memref<400x1024xf32, #tpu.memory_space<vmem>>, %arg1: memref<1x1024xf32, #tpu.memory_space<vmem>>, %arg2: memref<1x1024xf32, #tpu.memory_space<vmem>>, %arg3: memref<1024x1024xf32, #tpu.memory_space<vmem>>, %arg4: memref<1x1024xf32, #tpu.memory_space<vmem>>, %arg5: memref<1x1024xf32, #tpu.memory_space<vmem>>, %arg6: memref<1x1xf32, #tpu.memory_space<vmem>>, %arg7: memref<400x128xf32, #tpu.memory_space<vmem>>) attributes {dimension_semantics = [], scalar_prefetch = 0 : i64, scratch_operands = 0 : i64, tpu.core_type = #tpu.core_type<tc>} {
    %get3A = arith.constant 0 : index
    %get3A_0 = arith.constant 0 : index
    %get3A_1 = vector.load %arg0[%get3A, %get3A_0] : memref<400x1024xf32, #tpu.memory_space<vmem>>, vector<400x1024xf32>
    %reduce_sum3A = arith.constant dense<0.000000e+00> : vector<400xf32>
    %reduce_sum3A_2 = vector.multi_reduction <add>, %get3A_1, %reduce_sum3A [1] : vector<400x1024xf32> to vector<400xf32>
    %broadcast_in_dim3A = vector.shape_cast %reduce_sum3A_2 : vector<400xf32> to vector<400x1xf32>
    %div3A = arith.constant 1.024000e+03 : f32
    %div3A_3 = vector.broadcast %div3A : f32 to vector<400x1xf32>
    %div3A_4 = arith.divf %broadcast_in_dim3A, %div3A_3 : vector<400x1xf32>
    %mul3A = arith.mulf %get3A_1, %get3A_1 : vector<400x1024xf32>
    %reduce_sum3A_5 = arith.constant dense<0.000000e+00> : vector<400xf32>
    %reduce_sum3A_6 = vector.multi_reduction <add>, %mul3A, %reduce_sum3A_5 [1] : vector<400x1024xf32> to vector<400xf32>
    %broadcast_in_dim3A_7 = vector.shape_cast %reduce_sum3A_6 : vector<400xf32> to vector<400x1xf32>
    %div3A_8 = arith.constant 1.024000e+03 : f32
    %div3A_9 = vector.broadcast %div3A_8 : f32 to vector<400x1xf32>
    %div3A_10 = arith.divf %broadcast_in_dim3A_7, %div3A_9 : vector<400x1xf32>
    %mul3A_11 = arith.mulf %div3A_4, %div3A_4 : vector<400x1xf32>
    %sub3A = arith.subf %div3A_10, %mul3A_11 : vector<400x1xf32>
    %sub3A_12 = vector.broadcast %div3A_4 : vector<400x1xf32> to vector<400x1024xf32>
    %sub3A_13 = arith.subf %get3A_1, %sub3A_12 : vector<400x1024xf32>
    %add3A = arith.constant 9.99999974E-6 : f32
    %add3A_14 = vector.broadcast %add3A : f32 to vector<400x1xf32>
    %add3A_15 = arith.addf %sub3A, %add3A_14 : vector<400x1xf32>
    %rsqrt3A = math.rsqrt %add3A_15 : vector<400x1xf32>
    %mul3A_16 = vector.broadcast %rsqrt3A : vector<400x1xf32> to vector<400x1024xf32>
    %mul3A_17 = arith.mulf %sub3A_13, %mul3A_16 : vector<400x1024xf32>
    %get3A_18 = arith.constant 0 : index
    %get3A_19 = arith.constant 0 : index
    %get3A_20 = vector.load %arg1[%get3A_18, %get3A_19] : memref<1x1024xf32, #tpu.memory_space<vmem>>, vector<1x1024xf32>
    %mul3A_21 = vector.broadcast %get3A_20 : vector<1x1024xf32> to vector<400x1024xf32>
    %mul3A_22 = arith.mulf %mul3A_17, %mul3A_21 : vector<400x1024xf32>
    %get3A_23 = arith.constant 0 : index
    %get3A_24 = arith.constant 0 : index
    %get3A_25 = vector.load %arg2[%get3A_23, %get3A_24] : memref<1x1024xf32, #tpu.memory_space<vmem>>, vector<1x1024xf32>
    %add3A_26 = vector.broadcast %get3A_25 : vector<1x1024xf32> to vector<400x1024xf32>
    %add3A_27 = arith.addf %mul3A_22, %add3A_26 : vector<400x1024xf32>
    %convert_element_type3A = arith.truncf %add3A_27 : vector<400x1024xf32> to vector<400x1024xbf16>
    %get3A_28 = arith.constant 0 : index
    %get3A_29 = arith.constant 0 : index
    %get3A_30 = vector.load %arg3[%get3A_28, %get3A_29] : memref<1024x1024xf32, #tpu.memory_space<vmem>>, vector<1024x1024xf32>
    %convert_element_type3A_31 = arith.truncf %get3A_30 : vector<1024x1024xf32> to vector<1024x1024xbf16>
    %dot_general3A = arith.constant dense<0.000000e+00> : vector<400x1024xf32>
    %dot_general3A_32 = tpu.matmul %convert_element_type3A, %convert_element_type3A_31, %dot_general3A {dimension_numbers = #tpu.dot_dimension_numbers<[1], [0], [0], [1], [0, 0, 1, 1], [], []>, transpose_lhs_hint = false} : vector<400x1024xbf16>, vector<1024x1024xbf16>, vector<400x1024xf32> -> vector<400x1024xf32>
    %get3A_33 = arith.constant 0 : index
    %get3A_34 = arith.constant 0 : index
    %get3A_35 = vector.load %arg4[%get3A_33, %get3A_34] : memref<1x1024xf32, #tpu.memory_space<vmem>>, vector<1x1024xf32>
    %add3A_36 = vector.broadcast %get3A_35 : vector<1x1024xf32> to vector<400x1024xf32>
    %add3A_37 = arith.addf %dot_general3A_32, %add3A_36 : vector<400x1024xf32>
    %mul3A_38 = arith.constant 5.000000e-01 : f32
    %mul3A_39 = vector.broadcast %mul3A_38 : f32 to vector<400x1024xf32>
    %mul3A_40 = arith.mulf %mul3A_39, %add3A_37 : vector<400x1024xf32>
    %mul3A_41 = arith.constant 0.707106769 : f32
    %mul3A_42 = vector.broadcast %mul3A_41 : f32 to vector<400x1024xf32>
    %mul3A_43 = arith.mulf %add3A_37, %mul3A_42 : vector<400x1024xf32>
    %erf3A = math.erf %mul3A_43 : vector<400x1024xf32>
    %add3A_44 = arith.constant 1.000000e+00 : f32
    %add3A_45 = vector.broadcast %add3A_44 : f32 to vector<400x1024xf32>
    %add3A_46 = arith.addf %add3A_45, %erf3A : vector<400x1024xf32>
    %mul3A_47 = arith.mulf %mul3A_40, %add3A_46 : vector<400x1024xf32>
    %get3A_48 = arith.constant 0 : index
    %get3A_49 = arith.constant 0 : index
    %get3A_50 = vector.load %arg5[%get3A_48, %get3A_49] : memref<1x1024xf32, #tpu.memory_space<vmem>>, vector<1x1024xf32>
    %mul3A_51 = vector.broadcast %get3A_50 : vector<1x1024xf32> to vector<400x1024xf32>
    %mul3A_52 = arith.mulf %mul3A_47, %mul3A_51 : vector<400x1024xf32>
    %reduce_sum3A_53 = arith.constant dense<0.000000e+00> : vector<400xf32>
    %reduce_sum3A_54 = vector.multi_reduction <add>, %mul3A_52, %reduce_sum3A_53 [1] : vector<400x1024xf32> to vector<400xf32>
    %broadcast_in_dim3A_55 = vector.shape_cast %reduce_sum3A_54 : vector<400xf32> to vector<400x1xf32>
    %get3A_56 = arith.constant 0 : index
    %get3A_57 = arith.constant 0 : index
    %get3A_58 = vector.load %arg6[%get3A_56, %get3A_57] : memref<1x1xf32, #tpu.memory_space<vmem>>, vector<1x1xf32>
    %add3A_59 = vector.broadcast %get3A_58 : vector<1x1xf32> to vector<400x1xf32>
    %add3A_60 = arith.addf %broadcast_in_dim3A_55, %add3A_59 : vector<400x1xf32>
    %logistic3A = arith.negf %add3A_60 : vector<400x1xf32>
    %logistic3A_61 = math.exp %logistic3A : vector<400x1xf32>
    %logistic3A_62 = arith.constant 1.000000e+00 : f32
    %logistic3A_63 = vector.broadcast %logistic3A_62 : f32 to vector<400x1xf32>
    %logistic3A_64 = arith.addf %logistic3A_63, %logistic3A_61 : vector<400x1xf32>
    %logistic3A_65 = arith.divf %logistic3A_63, %logistic3A_64 : vector<400x1xf32>
    %broadcast_in_dim3A_66 = vector.shape_cast %logistic3A_65 : vector<400x1xf32> to vector<400x1xf32>
    %broadcast_in_dim3A_67 = vector.broadcast %broadcast_in_dim3A_66 : vector<400x1xf32> to vector<400x128xf32>
    %swap3A = arith.constant 0 : index
    %swap3A_68 = arith.constant 0 : index
    %swap3A_69 = vector.load %arg7[%swap3A, %swap3A_68] : memref<400x128xf32, #tpu.memory_space<vmem>>, vector<400x128xf32>
    tpu.vector_store %arg7[%swap3A, %swap3A_68], %broadcast_in_dim3A_67 {strides = array<i32>} : memref<400x128xf32, #tpu.memory_space<vmem>>, vector<400x128xf32>,
    return
  }
}

module attributes {stable_mosaic.version = 14 : i64} {
  func.func @_main_body(%arg0: i32, %arg1: memref<1x2048x1xi32, #tpu.memory_space<vmem>>, %arg2: memref<1x2048x128xf32, #tpu.memory_space<vmem>>, %arg3: memref<1x2046x20xf32, #tpu.memory_space<vmem>>, %arg4: memref<26x1024xf32, #tpu.memory_space<vmem>>, %arg5: memref<400x1024xf32, #tpu.memory_space<vmem>>, %arg6: memref<1x2048x1024xf32, #tpu.memory_space<vmem>>, %arg7: memref<400x1024xbf16, #tpu.memory_space<vmem>>) attributes {dimension_semantics = [#tpu.dimension_semantics<arbitrary>], iteration_bounds = array<i64: 2>, scalar_prefetch = 0 : i64, scratch_operands = 1 : i64, tpu.core_type = #tpu.core_type<tc>, window_params = [{transform_indices = @transform_0, window_bounds = array<i64: 1, 2048, 1>}, {transform_indices = @transform_1, window_bounds = array<i64: 1, 2048, 128>}, {transform_indices = @transform_2, window_bounds = array<i64: 1, 2046, 20>}, {pipeline_mode = #tpu.pipeline_mode<synchronous>, transform_indices = @transform_3, window_bounds = array<i64: 26, 1024>}, {pipeline_mode = #tpu.pipeline_mode<synchronous>, transform_indices = @transform_4, window_bounds = array<i64: 400, 1024>}, {transform_indices = @transform_5, window_bounds = array<i64: 1, 2048, 1024>}]} {
    %eq3A = arith.constant 0 : i32
    %eq3A_0 = arith.cmpi eq, %arg0, %eq3A : i32
    %convert_element_type3A = arith.extui %eq3A_0 : i1 to i32
    %cond3A = arith.constant 0 : i32
    %cond3A_1 = arith.cmpi ne, %convert_element_type3A, %cond3A : i32
    scf.if %cond3A_1 {
      %get3A_167 = arith.constant 0 : index
      %get3A_168 = arith.constant 0 : index
      %get3A_169 = vector.load %arg5[%get3A_167, %get3A_168] : memref<400x1024xf32, #tpu.memory_space<vmem>>, vector<400x1024xf32>
      %convert_element_type3A_170 = arith.truncf %get3A_169 : vector<400x1024xf32> to vector<400x1024xbf16>
      %swap3A_171 = arith.constant 0 : index
      %swap3A_172 = arith.constant 0 : index
      %swap3A_173 = vector.load %arg7[%swap3A_171, %swap3A_172] : memref<400x1024xbf16, #tpu.memory_space<vmem>>, vector<400x1024xbf16>
      tpu.vector_store %arg7[%swap3A_171, %swap3A_172], %convert_element_type3A_170 {strides = array<i32>} : memref<400x1024xbf16, #tpu.memory_space<vmem>>, vector<400x1024xbf16>,
    } else {
    }
    %get3A = arith.constant 0 : index
    %get3A_2 = arith.constant 0 : index
    %get3A_3 = arith.constant 0 : index
    %get3A_4 = vector.load %arg1[%get3A, %get3A_2, %get3A_3] : memref<1x2048x1xi32, #tpu.memory_space<vmem>>, vector<1x2048x1xi32>
    %get3A_5 = vector.shape_cast %get3A_4 : vector<1x2048x1xi32> to vector<2048x1xi32>
    %sub3A = arith.constant 25 : i32
    %sub3A_6 = vector.broadcast %sub3A : i32 to vector<2048x1xi32>
    %sub3A_7 = arith.subi %get3A_5, %sub3A_6 : vector<2048x1xi32>
    %get3A_8 = arith.constant 0 : index
    %get3A_9 = arith.constant 0 : index
    %get3A_10 = arith.constant 0 : index
    %get3A_11 = vector.load %arg2[%get3A_8, %get3A_9, %get3A_10] : memref<1x2048x128xf32, #tpu.memory_space<vmem>>, vector<1x2048x128xf32>
    %get3A_12 = vector.shape_cast %get3A_11 : vector<1x2048x128xf32> to vector<2048x128xf32>
    %slice3A = vector.extract_strided_slice %get3A_12 {offsets = [0, 0], sizes = [2048, 1], strides = [1, 1]} : vector<2048x128xf32> to vector<2048x1xf32>
    %iota3A = tpu.iota {dimensions = array<i32: 1>} : vector<1x400xi32>
    %eq3A_13 = vector.broadcast %sub3A_7 : vector<2048x1xi32> to vector<2048x400xi32>
    %eq3A_14 = vector.broadcast %iota3A : vector<1x400xi32> to vector<2048x400xi32>
    %eq3A_15 = arith.cmpi eq, %eq3A_13, %eq3A_14 : vector<2048x400xi32>
    %lt3A = arith.constant 25 : i32
    %lt3A_16 = vector.broadcast %lt3A : i32 to vector<2048x1xi32>
    %lt3A_17 = arith.cmpi slt, %get3A_5, %lt3A_16 : vector<2048x1xi32>
    %iota3A_18 = tpu.iota {dimensions = array<i32: 0>} : vector<2048x1xi32>
    %not3A = arith.constant dense<true> : vector<2048x1xi1>
    %not3A_19 = arith.xori %lt3A_17, %not3A : vector<2048x1xi1>
    %ge3A = arith.constant 1 : i32
    %ge3A_20 = vector.broadcast %ge3A : i32 to vector<2048x1xi32>
    %ge3A_21 = arith.cmpi sge, %iota3A_18, %ge3A_20 : vector<2048x1xi32>
    %le3A = arith.constant 2046 : i32
    %le3A_22 = vector.broadcast %le3A : i32 to vector<2048x1xi32>
    %le3A_23 = arith.cmpi sle, %iota3A_18, %le3A_22 : vector<2048x1xi32>
    %and3A = arith.andi %ge3A_21, %le3A_23 : vector<2048x1xi1>
    %and3A_24 = arith.andi %not3A_19, %and3A : vector<2048x1xi1>
    %convert_element_type3A_25 = arith.extui %and3A_24 : vector<2048x1xi1> to vector<2048x1xi32>
    %convert_element_type3A_26 = arith.sitofp %convert_element_type3A_25 : vector<2048x1xi32> to vector<2048x1xf32>
    %sub3A_27 = arith.constant 1.000000e+00 : f32
    %sub3A_28 = vector.broadcast %sub3A_27 : f32 to vector<2048x1xf32>
    %sub3A_29 = arith.subf %sub3A_28, %slice3A : vector<2048x1xf32>
    %mul3A = arith.mulf %convert_element_type3A_26, %sub3A_29 : vector<2048x1xf32>
    %mul3A_30 = arith.mulf %convert_element_type3A_26, %slice3A : vector<2048x1xf32>
    %broadcast_in_dim3A = arith.constant 0.000000e+00 : f32
    %broadcast_in_dim3A_31 = vector.broadcast %broadcast_in_dim3A : f32 to vector<1x20xf32>
    %get3A_32 = arith.constant 0 : index
    %get3A_33 = arith.constant 0 : index
    %get3A_34 = arith.constant 0 : index
    %get3A_35 = vector.load %arg3[%get3A_32, %get3A_33, %get3A_34] : memref<1x2046x20xf32, #tpu.memory_space<vmem>>, vector<1x2046x20xf32>
    %get3A_36 = vector.shape_cast %get3A_35 : vector<1x2046x20xf32> to vector<2046x20xf32>
    %broadcast_in_dim3A_37 = arith.constant 0.000000e+00 : f32
    %broadcast_in_dim3A_38 = vector.broadcast %broadcast_in_dim3A_37 : f32 to vector<1x20xf32>
    %concatenate3A = tpu.concatenate %broadcast_in_dim3A_31, %get3A_36, %broadcast_in_dim3A_38 in 0 : vector<1x20xf32>, vector<2046x20xf32>, vector<1x20xf32> -> vector<2048x20xf32>
    %iota3A_39 = tpu.iota {dimensions = array<i32: 0>} : vector<400x1xi32>
    %iota3A_40 = tpu.iota {dimensions = array<i32: 1>} : vector<1x20xi32>
    %jit3A = arith.constant 20 : i32
    %eq3A_41 = arith.constant 0 : i32
    %eq3A_42 = arith.cmpi eq, %jit3A, %eq3A_41 : i32
    %jit3A_43 = arith.constant 1 : i32
    %select_n3A = arith.select %eq3A_42, %jit3A_43, %jit3A : i32
    %rem3A = vector.broadcast %select_n3A : i32 to vector<400x1xi32>
    %rem3A_44 = arith.remsi %iota3A_39, %rem3A : vector<400x1xi32>
    %ne3A = arith.constant 0 : i32
    %ne3A_45 = vector.broadcast %ne3A : i32 to vector<400x1xi32>
    %ne3A_46 = arith.cmpi ne, %rem3A_44, %ne3A_45 : vector<400x1xi32>
    %lt3A_47 = arith.constant 0 : i32
    %lt3A_48 = vector.broadcast %lt3A_47 : i32 to vector<400x1xi32>
    %lt3A_49 = arith.cmpi slt, %rem3A_44, %lt3A_48 : vector<400x1xi32>
    %lt3A_50 = arith.constant 0 : i32
    %lt3A_51 = arith.cmpi slt, %select_n3A, %lt3A_50 : i32
    %ne3A_52 = vector.broadcast %lt3A_51 : i1 to vector<400x1xi1>
    %ne3A_53 = vector.broadcast %ne3A_52 : vector<400x1xi1> to vector<400x1xi1>
    %ne3A_54 = arith.xori %lt3A_49, %ne3A_53 : vector<400x1xi1>
    %and3A_55 = arith.andi %ne3A_54, %ne3A_46 : vector<400x1xi1>
    %add3A = vector.broadcast %select_n3A : i32 to vector<400x1xi32>
    %add3A_56 = arith.addi %rem3A_44, %add3A : vector<400x1xi32>
    %select_n3A_57 = arith.select %and3A_55, %add3A_56, %rem3A_44 : vector<400x1xi1>, vector<400x1xi32>
    %eq3A_58 = vector.broadcast %select_n3A_57 : vector<400x1xi32> to vector<400x20xi32>
    %eq3A_59 = vector.broadcast %iota3A_40 : vector<1x20xi32> to vector<400x20xi32>
    %eq3A_60 = arith.cmpi eq, %eq3A_58, %eq3A_59 : vector<400x20xi32>
    %convert_element_type3A_61 = arith.extui %eq3A_60 : vector<400x20xi1> to vector<400x20xi32>
    %convert_element_type3A_62 = arith.sitofp %convert_element_type3A_61 : vector<400x20xi32> to vector<400x20xf32>
    %dot_general3A = arith.constant dense<0.000000e+00> : vector<2048x400xf32>
    %dot_general3A_63 = tpu.matmul %concatenate3A, %convert_element_type3A_62, %dot_general3A {dimension_numbers = #tpu.dot_dimension_numbers<[1], [1], [0], [0], [0, 0, 1, 0], [], []>, transpose_lhs_hint = false} : vector<2048x20xf32>, vector<400x20xf32>, vector<2048x400xf32> -> vector<2048x400xf32>
    %max3A = arith.constant 0 : i32
    %max3A_64 = vector.broadcast %max3A : i32 to vector<2048x1xi32>
    %max3A_65 = arith.maxsi %sub3A_7, %max3A_64 : vector<2048x1xi32>
    %jit3A_66 = arith.constant 20 : i32
    %div3A = vector.broadcast %jit3A_66 : i32 to vector<2048x1xi32>
    %div3A_67 = arith.divsi %max3A_65, %div3A : vector<2048x1xi32>
    %sign3A = arith.constant 0 : i32
    %sign3A_68 = vector.broadcast %sign3A : i32 to vector<2048x1xi32>
    %sign3A_69 = arith.cmpi sgt, %max3A_65, %sign3A_68 : vector<2048x1xi32>
    %sign3A_70 = arith.extui %sign3A_69 : vector<2048x1xi1> to vector<2048x1xi32>
    %sign3A_71 = arith.constant 0 : i32
    %sign3A_72 = vector.broadcast %sign3A_71 : i32 to vector<2048x1xi32>
    %sign3A_73 = arith.cmpi slt, %max3A_65, %sign3A_72 : vector<2048x1xi32>
    %sign3A_74 = arith.extui %sign3A_73 : vector<2048x1xi1> to vector<2048x1xi32>
    %sign3A_75 = arith.subi %sign3A_70, %sign3A_74 : vector<2048x1xi32>
    %sign3A_76 = arith.constant 0 : i32
    %sign3A_77 = arith.cmpi sgt, %jit3A_66, %sign3A_76 : i32
    %sign3A_78 = arith.extui %sign3A_77 : i1 to i32
    %sign3A_79 = arith.constant 0 : i32
    %sign3A_80 = arith.cmpi slt, %jit3A_66, %sign3A_79 : i32
    %sign3A_81 = arith.extui %sign3A_80 : i1 to i32
    %sign3A_82 = arith.subi %sign3A_78, %sign3A_81 : i32
    %ne3A_83 = vector.broadcast %sign3A_82 : i32 to vector<2048x1xi32>
    %ne3A_84 = arith.cmpi ne, %sign3A_75, %ne3A_83 : vector<2048x1xi32>
    %rem3A_85 = vector.broadcast %jit3A_66 : i32 to vector<2048x1xi32>
    %rem3A_86 = arith.remsi %max3A_65, %rem3A_85 : vector<2048x1xi32>
    %ne3A_87 = arith.constant 0 : i32
    %ne3A_88 = vector.broadcast %ne3A_87 : i32 to vector<2048x1xi32>
    %ne3A_89 = arith.cmpi ne, %rem3A_86, %ne3A_88 : vector<2048x1xi32>
    %and3A_90 = arith.andi %ne3A_84, %ne3A_89 : vector<2048x1xi1>
    %sub3A_91 = arith.constant 1 : i32
    %sub3A_92 = vector.broadcast %sub3A_91 : i32 to vector<2048x1xi32>
    %sub3A_93 = arith.subi %div3A_67, %sub3A_92 : vector<2048x1xi32>
    %select_n3A_94 = arith.select %and3A_90, %sub3A_93, %div3A_67 : vector<2048x1xi1>, vector<2048x1xi32>
    %jit3A_95 = arith.constant 20 : i32
    %div3A_96 = vector.broadcast %jit3A_95 : i32 to vector<1x400xi32>
    %div3A_97 = arith.divsi %iota3A, %div3A_96 : vector<1x400xi32>
    %sign3A_98 = arith.constant 0 : i32
    %sign3A_99 = vector.broadcast %sign3A_98 : i32 to vector<1x400xi32>
    %sign3A_100 = arith.cmpi sgt, %iota3A, %sign3A_99 : vector<1x400xi32>
    %sign3A_101 = arith.extui %sign3A_100 : vector<1x400xi1> to vector<1x400xi32>
    %sign3A_102 = arith.constant 0 : i32
    %sign3A_103 = vector.broadcast %sign3A_102 : i32 to vector<1x400xi32>
    %sign3A_104 = arith.cmpi slt, %iota3A, %sign3A_103 : vector<1x400xi32>
    %sign3A_105 = arith.extui %sign3A_104 : vector<1x400xi1> to vector<1x400xi32>
    %sign3A_106 = arith.subi %sign3A_101, %sign3A_105 : vector<1x400xi32>
    %sign3A_107 = arith.constant 0 : i32
    %sign3A_108 = arith.cmpi sgt, %jit3A_95, %sign3A_107 : i32
    %sign3A_109 = arith.extui %sign3A_108 : i1 to i32
    %sign3A_110 = arith.constant 0 : i32
    %sign3A_111 = arith.cmpi slt, %jit3A_95, %sign3A_110 : i32
    %sign3A_112 = arith.extui %sign3A_111 : i1 to i32
    %sign3A_113 = arith.subi %sign3A_109, %sign3A_112 : i32
    %ne3A_114 = vector.broadcast %sign3A_113 : i32 to vector<1x400xi32>
    %ne3A_115 = arith.cmpi ne, %sign3A_106, %ne3A_114 : vector<1x400xi32>
    %rem3A_116 = vector.broadcast %jit3A_95 : i32 to vector<1x400xi32>
    %rem3A_117 = arith.remsi %iota3A, %rem3A_116 : vector<1x400xi32>
    %ne3A_118 = arith.constant 0 : i32
    %ne3A_119 = vector.broadcast %ne3A_118 : i32 to vector<1x400xi32>
    %ne3A_120 = arith.cmpi ne, %rem3A_117, %ne3A_119 : vector<1x400xi32>
    %and3A_121 = arith.andi %ne3A_115, %ne3A_120 : vector<1x400xi1>
    %sub3A_122 = arith.constant 1 : i32
    %sub3A_123 = vector.broadcast %sub3A_122 : i32 to vector<1x400xi32>
    %sub3A_124 = arith.subi %div3A_97, %sub3A_123 : vector<1x400xi32>
    %select_n3A_125 = arith.select %and3A_121, %sub3A_124, %div3A_97 : vector<1x400xi1>, vector<1x400xi32>
    %eq3A_126 = vector.broadcast %select_n3A_94 : vector<2048x1xi32> to vector<2048x400xi32>
    %eq3A_127 = vector.broadcast %select_n3A_125 : vector<1x400xi32> to vector<2048x400xi32>
    %eq3A_128 = arith.cmpi eq, %eq3A_126, %eq3A_127 : vector<2048x400xi32>
    %jit3A_129 = arith.constant 0.000000e+00 : f32
    %broadcast_in_dim3A_130 = vector.shape_cast %mul3A : vector<2048x1xf32> to vector<2048x1xf32>
    %broadcast_in_dim3A_131 = vector.broadcast %broadcast_in_dim3A_130 : vector<2048x1xf32> to vector<2048x400xf32>
    %broadcast_in_dim3A_132 = vector.broadcast %jit3A_129 : f32 to vector<2048x400xf32>
    %select_n3A_133 = arith.select %eq3A_15, %broadcast_in_dim3A_131, %broadcast_in_dim3A_132 : vector<2048x400xi1>, vector<2048x400xf32>
    %mul3A_134 = vector.broadcast %mul3A_30 : vector<2048x1xf32> to vector<2048x400xf32>
    %mul3A_135 = arith.mulf %mul3A_134, %dot_general3A_63 : vector<2048x400xf32>
    %jit3A_136 = arith.constant 0.000000e+00 : f32
    %broadcast_in_dim3A_137 = vector.broadcast %jit3A_136 : f32 to vector<2048x400xf32>
    %select_n3A_138 = arith.select %eq3A_128, %mul3A_135, %broadcast_in_dim3A_137 : vector<2048x400xi1>, vector<2048x400xf32>
    %add3A_139 = arith.addf %select_n3A_133, %select_n3A_138 : vector<2048x400xf32>
    %iota3A_140 = tpu.iota {dimensions = array<i32: 1>} : vector<1x26xi32>
    %eq3A_141 = vector.broadcast %get3A_5 : vector<2048x1xi32> to vector<2048x26xi32>
    %eq3A_142 = vector.broadcast %iota3A_140 : vector<1x26xi32> to vector<2048x26xi32>
    %eq3A_143 = arith.cmpi eq, %eq3A_141, %eq3A_142 : vector<2048x26xi32>
    %and3A_144 = vector.broadcast %lt3A_17 : vector<2048x1xi1> to vector<2048x26xi1>
    %and3A_145 = arith.andi %eq3A_143, %and3A_144 : vector<2048x26xi1>
    %convert_element_type3A_146 = arith.extui %and3A_145 : vector<2048x26xi1> to vector<2048x26xi32>
    %convert_element_type3A_147 = arith.sitofp %convert_element_type3A_146 : vector<2048x26xi32> to vector<2048x26xf32>
    %convert_element_type3A_148 = arith.truncf %convert_element_type3A_147 : vector<2048x26xf32> to vector<2048x26xbf16>
    %convert_element_type3A_149 = arith.truncf %add3A_139 : vector<2048x400xf32> to vector<2048x400xbf16>
    %get3A_150 = arith.constant 0 : index
    %get3A_151 = arith.constant 0 : index
    %get3A_152 = vector.load %arg7[%get3A_150, %get3A_151] : memref<400x1024xbf16, #tpu.memory_space<vmem>>, vector<400x1024xbf16>
    %dot_general3A_153 = arith.constant dense<0.000000e+00> : vector<2048x1024xf32>
    %dot_general3A_154 = tpu.matmul %convert_element_type3A_149, %get3A_152, %dot_general3A_153 {dimension_numbers = #tpu.dot_dimension_numbers<[1], [0], [0], [1], [0, 0, 1, 1], [], []>, transpose_lhs_hint = false} : vector<2048x400xbf16>, vector<400x1024xbf16>, vector<2048x1024xf32> -> vector<2048x1024xf32>
    %get3A_155 = arith.constant 0 : index
    %get3A_156 = arith.constant 0 : index
    %get3A_157 = vector.load %arg4[%get3A_155, %get3A_156] : memref<26x1024xf32, #tpu.memory_space<vmem>>, vector<26x1024xf32>
    %convert_element_type3A_158 = arith.truncf %get3A_157 : vector<26x1024xf32> to vector<26x1024xbf16>
    %dot_general3A_159 = arith.constant dense<0.000000e+00> : vector<2048x1024xf32>
    %dot_general3A_160 = tpu.matmul %convert_element_type3A_148, %convert_element_type3A_158, %dot_general3A_159 {dimension_numbers = #tpu.dot_dimension_numbers<[1], [0], [0], [1], [0, 0, 1, 1], [], []>, transpose_lhs_hint = false} : vector<2048x26xbf16>, vector<26x1024xbf16>, vector<2048x1024xf32> -> vector<2048x1024xf32>
    %add3A_161 = arith.addf %dot_general3A_154, %dot_general3A_160 : vector<2048x1024xf32>
    %swap3A = arith.constant 0 : index
    %swap3A_162 = arith.constant 0 : index
    %swap3A_163 = arith.constant 0 : index
    %swap3A_164 = vector.load %arg6[%swap3A, %swap3A_162, %swap3A_163] : memref<1x2048x1024xf32, #tpu.memory_space<vmem>>, vector<1x2048x1024xf32>
    %swap3A_165 = vector.shape_cast %swap3A_164 : vector<1x2048x1024xf32> to vector<2048x1024xf32>
    %swap3A_166 = vector.shape_cast %add3A_161 : vector<2048x1024xf32> to vector<1x2048x1024xf32>
    tpu.vector_store %arg6[%swap3A, %swap3A_162, %swap3A_163], %swap3A_166 {strides = array<i32>} : memref<1x2048x1024xf32, #tpu.memory_space<vmem>>, vector<1x2048x1024xf32>,
    return
  }
  func.func @transform_0(%arg0: i32) -> (i32, i32, i32) {
    %c0_i32 = arith.constant 0 : i32
    %c0_i32_0 = arith.constant 0 : i32
    %c0_i32_1 = arith.constant 0 : i32
    return %arg0, %c0_i32, %c0_i32_0 : i32, i32, i32
  }
  func.func @transform_1(%arg0: i32) -> (i32, i32, i32) {
    %c0_i32 = arith.constant 0 : i32
    %c0_i32_0 = arith.constant 0 : i32
    %c0_i32_1 = arith.constant 0 : i32
    return %arg0, %c0_i32, %c0_i32_0 : i32, i32, i32
  }
  func.func @transform_2(%arg0: i32) -> (i32, i32, i32) {
    %c0_i32 = arith.constant 0 : i32
    %c0_i32_0 = arith.constant 0 : i32
    %c0_i32_1 = arith.constant 0 : i32
    return %arg0, %c0_i32, %c0_i32_0 : i32, i32, i32
  }
  func.func @transform_3(%arg0: i32) -> (i32, i32) {
    %c0_i32 = arith.constant 0 : i32
    %c0_i32_0 = arith.constant 0 : i32
    %c0_i32_1 = arith.constant 0 : i32
    return %c0_i32, %c0_i32_0 : i32, i32
  }
  func.func @transform_4(%arg0: i32) -> (i32, i32) {
    %c0_i32 = arith.constant 0 : i32
    %c0_i32_0 = arith.constant 0 : i32
    %c0_i32_1 = arith.constant 0 : i32
    return %c0_i32, %c0_i32_0 : i32, i32
  }
  func.func @transform_5(%arg0: i32) -> (i32, i32, i32) {
    %c0_i32 = arith.constant 0 : i32
    %c0_i32_0 = arith.constant 0 : i32
    %c0_i32_1 = arith.constant 0 : i32
    return %arg0, %c0_i32, %c0_i32_0 : i32, i32, i32
  }
}

</mosaic_0001>

<sc_bundles>
// kernel: kernel.5.cloned.1.call-start
scs
__scs_entry_jumppad:
0x0: {  	(pc) =	sbr.rel $0x88, $3  }
0x1: {  	(tag) =	ssettag $0x0;
	lr =	simm.s32 $0x1  }
0x2: {  	[smem:$0x3F97] =	sst lr;
	_ =	strace $0xD0000000  }
0x3: {  	_ = 	snop  }
0x4: {  	_ = 	snop  }
0x5: {  	_ = 	snop  }
0x6: {  	_ = 	snop  }
0x7: {  	_ = 	snop  }
__scs_overlays_trampoline_lowered:
0x8: {  	[smem:$0x3FA6] =	sst s0  }
0x9: {  	[smem:$0x3FA7] =	sst s1  }
0xa: {  	[smem:$0x3FA8] =	sst s2  }
0xb: {  	[smem:$0x3FA9] =	sst s3  }
0xc: {  	[smem:$0x3FAA] =	sst s4  }
0xd: {  	[smem:$0x3FAB] =	sst s5  }
0xe: {  	[smem:$0x3FAC] =	sst s6  }
0xf: {  	[smem:$0x3FAD] =	sst s7  }
0x10: {  	[smem:$0x3FAE] =	sst s8  }
0x11: {  	[smem:$0x3FAF] =	sst s9;
	s0 =	simm.s32 @!p0 $0x0  }
0x12: {  	s1 =	sld [smem:$0x3F95];
	s0 =	simm.s32 @p0 $0x1  }
0x13: {  	[smem:$0x3FB0] =	sst s0;
	s0 =	simm.s32 @!p1 $0x0  }
0x14: {  	s2 =	sld [smem:$0x3F94];
	s0 =	simm.s32 @p1 $0x1  }
0x15: {  	[smem:$0x3FB1] =	sst s0;
	s0 =	simm.s32 @!p2 $0x0  }
0x16: {  	s3 =	sld [smem:$0x3FDB];
	s0 =	simm.s32 @p2 $0x1  }
0x17: {  	s4 =	simm.s32 $0x1BF5;
	[smem:$0x3FB3] =	sst s0  }
0x18: {  	s0 =	sld [smem:$0x3F96];
	_ =	swait.ge [sflag:s4], $0x0  }
0x19: {  	s7 =	sld [smem:$0x3F97]  }
0x1a: {  	s8 =	sadd.s32 $0xFFFFE003, lr  }
0x1b: {  	s9 =	sadd.s32 $0xFFFFFEF7, lr;
	s5 =	simm.s32 $0xFFFFFFFF;
	p2 =	slt.u32 s8, $0xFFFFF086  }
0x1c: {  	p1 =	slt.u32 s9, $0xF7A;
	s5 =	simm.s32 @!p2 $0x0  }
0x1d: {  	s5 =	simm.s32 @p1 $0x1;
	p0 =	seq.s32 s7, s2  }
0x1e: {  	s7 =	smul.u32 @!p0 $0xF7A, s2;
	p2 =	seq.s32 @!p0 s5, $0x0  }
0x1f: {  	s9 =	smul.u32 $0xF7A, s1;
	s8 =	simm.s32 @!p0 $0x1BF5;
	p2 =	por !p2, p0  }
0x20: {  	[sflag:s8] =	ssyncset.s32 @!p0 $0xFFFFF086;
	s6 =	sadd.s32 @!p0 s3, s7;
	s7 =	simm.s32 @!p0 $0x108  }
0x21: {  	s3 =	sadd.s32 s3, s9;
	s6 =	sadd.s32 @!p0 $0x88, s6;
	s7 =	simm.s32 @p2 $0x1082  }
0x22: {  	[simem:s7], [sflag:s8] =	dma.local @!p0 [hbm:s6], $0xF7A  }
0x23: {  	s9 =	sor.u32 $0xD0000000, s2;
	s6 =	simm.s32 $0x108;
	_ =	swait.ge @!p0 [sflag:s8], $0x0  }
0x24: {  	s3 =	sadd.s32 $0x88, s3;
	s6 =	simm.s32 @!p1 $0x1082;
	[sflag:s4] =	ssyncset.s32 $0xFFFFF086  }
0x25: {  	[simem:s6], [sflag:s4] =	dma.local [hbm:s3], $0xF7A  }
0x26: {  	[smem:$0x3F97] =	sst s1;
	(tag) =	ssettag s2;
	_ =	strace s9  }
0x27: {  	s1 =	sld [smem:$0x3FA7]  }
0x28: {  	s2 =	sld [smem:$0x3FA8]  }
0x29: {  	s4 =	sld [smem:$0x3FAA]  }
0x2a: {  	p0 =	seq.s32 s5, $0x0;
	s5 =	sld [smem:$0x3FAB]  }
0x2b: {  	s6 =	sld [smem:$0x3FAC]  }
0x2c: {  	s7 =	sld [smem:$0x3FAD]  }
0x2d: {  	s3 =	simm.s32 $0x108;
	s8 =	sld [smem:$0x3FAE]  }
0x2e: {  	s3 =	simm.s32 @!p0 $0x1082;
	s9 =	sld [smem:$0x3FAF]  }
0x2f: {  	lr =	sadd.s32 s0, s3;
	s0 =	sld [smem:$0x3FA6]  }
0x30: {  	s3 =	sld [smem:$0x3FA9]  }
0x31: {  	[smem:$0x3FB2] =	sst s10  }
0x32: {  	s10 =	sld [smem:$0x3FB0];
	_ =	sdelay $0x3  }
0x33: {  	p0 =	seq.s32 s10, $0x1;
	s10 =	sld [smem:$0x3FB2];
	_ =	sdelay $0x3  }
0x34: {  	[smem:$0x3FB2] =	sst s10  }
0x35: {  	s10 =	sld [smem:$0x3FB1];
	_ =	sdelay $0x3  }
0x36: {  	p1 =	seq.s32 s10, $0x1;
	s10 =	sld [smem:$0x3FB2];
	_ =	sdelay $0x3  }
0x37: {  	[smem:$0x3FB2] =	sst s10  }
0x38: {  	s10 =	sld [smem:$0x3FB3]  }
0x39: {  	_ = 	snop;
	(pc) =	sbr.ind lr, $3  }
0x3a: {  	_ = 	snop  }
0x3b: {  	_ = 	snop  }
0x3c: {  	p2 =	seq.s32 s10, $0x1;
	s10 =	sld [smem:$0x3FB2]  }
0x3d: {  	_ =	shalt  }
0x3e: {  	_ =	shalt  }
0x3f: {  	_ =	shalt  }
0x40: {  	_ =	shalt  }
0x41: {  	_ =	shalt  }
0x42: {  	_ =	shalt  }
0x43: {  	_ =	shalt  }
0x44: {  	_ =	shalt  }
0x45: {  	_ =	shalt  }
0x46: {  	_ =	shalt  }
0x47: {  	_ =	shalt  }
0x48: {  	_ =	shalt  }
0x49: {  	_ =	shalt  }
0x4a: {  	_ =	shalt  }
0x4b: {  	_ =	shalt  }
0x4c: {  	_ =	shalt  }
0x4d: {  	_ =	shalt  }
0x4e: {  	_ =	shalt  }
0x4f: {  	_ =	shalt  }
0x50: {  	_ =	shalt  }
0x51: {  	_ =	shalt  }
0x52: {  	_ =	shalt  }
0x53: {  	_ =	shalt  }
0x54: {  	_ =	shalt  }
0x55: {  	_ =	shalt  }
0x56: {  	_ =	shalt  }
0x57: {  	_ =	shalt  }
0x58: {  	_ =	shalt  }
0x59: {  	_ =	shalt  }
0x5a: {  	_ =	shalt  }
0x5b: {  	_ =	shalt  }
0x5c: {  	_ =	shalt  }
0x5d: {  	_ =	shalt  }
0x5e: {  	_ =	shalt  }
0x5f: {  	_ =	shalt  }
0x60: {  	_ =	shalt  }
0x61: {  	_ =	shalt  }
0x62: {  	_ =	shalt  }
0x63: {  	_ =	shalt  }
0x64: {  	_ =	shalt  }
0x65: {  	_ =	shalt  }
0x66: {  	_ =	shalt  }
0x67: {  	_ =	shalt  }
0x68: {  	_ =	shalt  }
0x69: {  	_ =	shalt  }
0x6a: {  	_ =	shalt  }
0x6b: {  	_ =	shalt  }
0x6c: {  	_ =	shalt  }
0x6d: {  	_ =	shalt  }
0x6e: {  	_ =	shalt  }
0x6f: {  	_ =	shalt  }
0x70: {  	_ =	shalt  }
0x71: {  	_ =	shalt  }
0x72: {  	_ =	shalt  }
0x73: {  	_ =	shalt  }
0x74: {  	_ =	shalt  }
0x75: {  	_ =	shalt  }
0x76: {  	_ =	shalt  }
0x77: {  	_ =	shalt  }
0x78: {  	_ =	shalt  }
0x79: {  	_ =	shalt  }
0x7a: {  	_ =	shalt  }
0x7b: {  	_ =	shalt  }
0x7c: {  	_ =	shalt  }
0x7d: {  	_ =	shalt  }
0x7e: {  	_ =	shalt  }
0x7f: {  	_ =	shalt  }
0x80: {  	_ =	shalt  }
0x81: {  	_ =	shalt  }
0x82: {  	_ =	shalt  }
0x83: {  	_ =	shalt  }
0x84: {  	_ =	shalt  }
0x85: {  	_ =	shalt  }
0x86: {  	_ =	shalt  }
0x87: {  	_ =	shalt  }
.Lfunc_end0:
.L_simem_size_0:
called_computation_lowered:
.L_overlay_start_0:
0x88: {  	s2 =	sld [smem:$0x3FD9]  }
0x89: {  	s3 =	sld [smem:$0x3FFE];
	_ =	sdelay $0x1  }
0x8a: {  	s1 =	srdreg.scid  }
0x8b: {  	s0 =	sand.u32 $0x1, s1  }
0x8c: {  	s17 =	sshll.u32 s0, $0xA;
	s2 =	sadd.s32 s3, s2  }
0x8d: {  	s2 =	sadd.s32 s2, s17  }
0x8e: {  	[smem:$0x3FBE] =	sst s2  }
0x8f: {  	_ = 	snop  }
0x90: {  	s2 =	sld [smem:$0x3FD0];
	(tm) =	ssettm $0x1  }
0x91: {  	s18 =	sld [smem:$0x3FFB];
	_ =	sdelay $0x3  }
0x92: {  	_ =	strace s18  }
0x93: {  	s3 =	sld [smem:$0x3FFC];
	_ =	sdelay $0x3  }
0x94: {  	_ =	strace s3  }
0x95: {  	s3 =	sld [smem:$0x3FFD];
	_ =	sdelay $0x3  }
0x96: {  	_ =	strace s3  }
0x97: {  	_ =	strace $0x8FFFFFFF  }
0x98: {  	s19 =	sld [smem:$0x3FDB];
	_ =	sdelay $0x1  }
0x99: {  	s4 =	simm.s32 $_scs_section_size  }
0x9a: {  	s5 =	simm.s32 $_size__tile_overlayer_lowered;
	s6 =	simm.s32 $_tile_overlayer_lowered  }
0x9b: {  	s22 =	simm.s32 $0x1BFF;
	s21 =	sshll.u32 s6, $0x1;
	s3 =	sadd.s32 s4, s19  }
0x9c: {  	s7 =	simm.s32 $0x0;
	s20 =	sshll.u32 s5, $0x1;
	s5 =	sadd.s32 s21, s3  }
0x9d: {  	[timem:s7], [sflag:s22] =	dma.local [hbm:s5], s20  }
0x9e: {  	_ =	swait.ge [sflag:s22], s20  }
0x9f: {  	s4 =	ssub.s32 $0x0, s20;
	[sflag:s22] =	ssyncset.done $0x0  }
0xa0: {  	[sflag:s22] =	ssyncadd.s32 s4;
	_ =	sdelay $0x1  }
0xa1: {  	s23 =	simm.s32 $0x1B8B  }
0xa2: {  	_ =	swait.ge [sflag:s23], $0x1  }
0xa3: {  	[sflag:s23] =	ssyncset.done $0x0  }
0xa4: {  	s25 =	simm.s32 $0x1B8E;
	s24 =	sld [smem:$0x3FFE];
	[sflag:s23] =	ssyncadd.s32 $0xFFFFFFFF  }
0xa5: {  	s26 =	simm.s32 $execute0_lowered;
	[smem:$0x3FD2] =	sst s25  }
0xa6: {  	s5 =	sshll.u32 s26, $0x1;
	_ =	strace $0x80000046;
	[dreg:$0x1] =	wrdreg $0xFFFFFFFF  }
0xa7: {  	s28 =	simm.s32 $_size_execute0_lowered;
	s3 =	sadd.s32 s3, s5;
	[dreg:$0x0] =	wrdreg $0x0  }
0xa8: {  	s5 =	sshll.u32 s28, $0x1;
	[dreg:$0x2] =	wrdreg s3  }
0xa9: {  	[dreg:$0x3] =	wrdreg s5  }
0xaa: {  	[dreg:$0x4] =	wrdreg $0xC0  }
0xab: {  	_ =	task [dreg:s7], $0x5FFFF  }
0xac: {  	[dreg:$0x1] =	wrdreg $0xFFFFFFFF  }
0xad: {  	[dreg:$0x0] =	wrdreg $0x60  }
0xae: {  	[dreg:$0x2] =	wrdreg s24  }
0xaf: {  	[dreg:$0x3] =	wrdreg s2  }
0xb0: {  	[dreg:$0x4] =	wrdreg $0x9  }
0xb1: {  	_ =	task.clear_ibuf [dreg:s7], $0x5FFFF;
	_ =	strace $0x90000046  }
0xb2: {  	s29 =	simm.s32 $0x9;
	_ =	strace $0x80000048  }
0xb3: {  	_ =	swait.ge [sflag:s29], $0x1  }
0xb4: {  	[sflag:s29] =	ssyncadd.s32 $0xFFFFFFFF  }
0xb5: {  	_ =	strace $0x90000048  }
0xb6: {  	_ =	sfence  }
0xb7: {  	s30 =	sld [smem:$0x0];
	_ =	sdelay $0x2  }
0xb8: {  	s31 =	sshll.u32 s1, $0xD;
	s1 =	sshrl.u32 s1, $0x2  }
0xb9: {  	s3 =	sand.u32 $0x4000, s31;
	s1 =	sadd.s32 s1, s30  }
0xba: {  	s0 =	sor.u32 s3, s0;
	s1 =	sshll.u32 s1, $0x11  }
0xbb: {  	s0 =	sor.u32 s1, s0  }
0xbc: {  	s0 =	sadd.s32 $0x8F2B, s0  }
0xbd: {  	[sflag:s0] =	ssyncadd.remote.s32 $0x1  }
0xbe: {  	_ =	sfence.sel $0xFFFF  }
0xbf: {  	[dreg:$0x0] =	wrdreg $0xFFFFFFFF;
	(pc) =	sbr.abs _section_cstart, $3  }
0xc0: {  	[dreg:$0x1] =	wrdreg $0xFFFFFFFF  }
0xc1: {  	_ =	task.clear_ibuf [dreg:s7], $0x2FFFF;
	_ =	strace $0x9FFFFFFF  }
0xc2: {  	(tm) =	ssettm $0x7FFFFFFF  }
0xc3: {  	_ =	shalt  }
tec
execute0_lowered:
.L_overlay_start_1:
0x0: {  	(tag) =	ssettag $0x1  }
0x1: {  	s1 =	srdreg.scid  }
0x2: {  	s0 =	stileid.u32;
	s5 =	sand.u32 $0x1, s1  }
0x3: {  	s6 =	rddreg [dreg:$0x0];
	s30 =	sshll.u32 s0, $0x8;
	s2 =	sshll.u32 s5, $0x7  }
0x4: {  	s7 =	rddreg [dreg:$0x1];
	s8 =	sor.u32 s2, s30  }
0x5: {  	s1 =	rddreg [dreg:$0x2];
	s2 =	simm.s32 $0x0;
	s3 =	sshrl.u32 s8, $0x3  }
0x6: {  	[smem:$0x7FF] =	sst s2;
	s3 =	sadd.s32 s3, s6  }
0x7: {  	_ =	strace $0x80000047;
	s4 =	sadd.s32 $0x1800, s3;
	s3 =	simm.s32 $0x2  }
0x8: {  	[tilespmem:s2], [sflag:$0x2] =	stream.linear.gather [hbm4b:s4+s2], $0x80, $0x38;
	[tilespmem:$0x4100] =	vst v63  }
0x9: {  	_ =	swait.ge [sflag:s3], $0x80  }
0xa: {  	[sflag:s3] =	ssyncset.done $0x0  }
0xb: {  	[sflag:s3] =	ssyncadd.s32 $0xFFFFFF80  }
0xc: {  	v0 =	vld [tilespmem:$0x70]  }
0xd: {  	v1 =	vld [tilespmem:$0x60]  }
0xe: {  	v2 =	vld [tilespmem:$0x20]  }
0xf: {  	v3 =	vld [tilespmem:$0x10]  }
0x10: {  	v4 =	vld [tilespmem:$0x0]  }
0x11: {  	v5 =	vld [tilespmem:$0x40];
	_ =	sdelay $0x2  }
0x12: {  	v0 =	vadd.s32 $0xFFFFFFE7, v0;
	v1 =	vadd.s32 $0xFFFFFFE7, v1  }
0x13: {  	s5 =	ssub.s32 $0x2, s5;
	v6 =	vld [tilespmem:$0x50];
	v2 =	vadd.s32 $0xFFFFFFE7, v2;
	v3 =	vadd.s32 $0xFFFFFFE7, v3;
	v4 =	vadd.s32 $0xFFFFFFE7, v4  }
0x14: {  	s9 =	sshrl.u32 s5, $0x1;
	v5 =	vadd.s32 $0xFFFFFFE7, v5;
	vm0 =	vgt.s32 v0, $0x0;
	vm1 =	vgt.s32 v1, $0x0  }
0x15: {  	s9 =	ssub.s32 s5, s9;
	v7 =	vld [tilespmem:$0x30];
	vm11 =	vgt.s32 v4, $0x0;
	vm12 =	vgt.s32 v3, $0x0;
	v0 =	vnsel vm0, $0x0, v0  }
0x16: {  	s10 =	smax.u32 s9, $0x1;
	vm13 =	vgt.s32 v2, $0x0;
	v1 =	vnsel vm1, $0x0, v1;
	v0 =	vmin.u32 v0, $0x18F  }
0x17: {  	p0 =	sne.s32 s10, $0x1;
	vm2 =	vgt.s32 v5, $0x0;
	v1 =	vmin.u32 v1, $0x18F;
	[tilespmem:$0xF0] =	vst v0;
	v0 =	vnsel vm11, $0x0, v4  }
.Ltmp0:
0x18: {  	[tilespmem:$0xE0] =	vst v1;
	v1 =	vnsel vm13, $0x0, v2;
	v2 =	vadd.s32 $0xFFFFFFE7, v6;
	v0 =	vmin.u32 v0, $0x18F;
	(pc) =	sbr.rel @!p0 .LBB2_2-.Ltmp0, $4  }
0x19: {  	v1 =	vmin.u32 v1, $0x18F;
	vm14 =	vgt.s32 v2, $0x0;
	[tilespmem:$0x80] =	vst v0;
	v0 =	vnsel vm12, $0x0, v3  }
0x1a: {  	s31 =	sshll.u32 s8, $0x4;
	[tilespmem:$0xA0] =	vst v1;
	v1 =	vadd.s32 $0xFFFFFFE7, v7;
	v3 =	vnsel vm2, $0x0, v5;
	v0 =	vmin.u32 v0, $0x18F  }
0x1b: {  	s5 =	sadd.s32 $0x1A00, s6;
	s8 =	simm.s32 $0x100;
	s6 =	sadd.s32 s7, s31;
	v2 =	vnsel vm14, $0x0, v2;
	vm15 =	vgt.s32 v1, $0x0;
	v3 =	vmin.u32 v3, $0x18F;
	[tilespmem:$0x90] =	vst v0  }
0x1c: {  	s7 =	simm.s32 $0x80;
	s9 =	simm.s32 $0x1;
	s10 =	sadd.s32 $0xFFFFFFFF, s10;
	v0 =	vnsel vm15, $0x0, v1;
	[tilespmem:$0xC0] =	vst v3;
	v1 =	vmin.u32 v2, $0x18F  }
.LBB2_1:
0x1d: {  	p0 =	sne.s32 s10, $0x1;
	s10 =	sadd.s32 $0xFFFFFFFF, s10;
	v0 =	vmin.u32 v0, $0x18F;
	[tilespmem:$0xD0] =	vst v1  }
0x1e: {  	[tilespmem:$0xB0] =	vst v0  }
0x1f: {  	[tilespmem:s8], [sflag:$0x1] =	stream.indirect.gather [hbm4b:s5+s7], $0x80, s7, s7, $0xb8;
	[tilespmem:$0x4100] =	vst v63  }
0x20: {  	_ =	swait.ge [sflag:s9], $0x4000  }
0x21: {  	[sflag:s9] =	ssyncset.done $0x0  }
0x22: {  	[sflag:s9] =	ssyncadd.s32 $0xFFFFC000  }
0x23: {  	[hbm4b:s6+s2] =	stream.linear.scatter [tilespmem:s8], [sflag:$0x2], $0x4000, $0x38;
	[tilespmem:$0x4100] =	vst v63  }
0x24: {  	_ =	swait.ge [sflag:s3], $0x4000  }
0x25: {  	[sflag:s3] =	ssyncset.done $0x0  }
0x26: {  	[sflag:s3] =	ssyncadd.s32 $0xFFFFC000  }
0x27: {  	[tilespmem:s2], [sflag:$0x2] =	stream.linear.gather [hbm4b:s4+s2], $0x80, $0x38;
	[tilespmem:$0x4100] =	vst v63  }
0x28: {  	_ =	swait.ge [sflag:s3], $0x80  }
0x29: {  	[sflag:s3] =	ssyncset.done $0x0  }
0x2a: {  	[sflag:s3] =	ssyncadd.s32 $0xFFFFFF80  }
0x2b: {  	v0 =	vld [tilespmem:$0x70]  }
0x2c: {  	v1 =	vld [tilespmem:$0x60]  }
0x2d: {  	v2 =	vld [tilespmem:$0x20]  }
0x2e: {  	v3 =	vld [tilespmem:$0x10]  }
0x2f: {  	v4 =	vld [tilespmem:$0x0]  }
0x30: {  	v5 =	vld [tilespmem:$0x40];
	v0 =	vadd.s32 $0xFFFFFFE7, v0  }
0x31: {  	v6 =	vld [tilespmem:$0x30];
	v1 =	vadd.s32 $0xFFFFFFE7, v1;
	vm0 =	vgt.s32 v0, $0x0  }
0x32: {  	v2 =	vadd.s32 $0xFFFFFFE7, v2;
	v7 =	vld [tilespmem:$0x50];
	vm1 =	vgt.s32 v1, $0x0;
	v0 =	vnsel vm0, $0x0, v0  }
0x33: {  	v3 =	vadd.s32 $0xFFFFFFE7, v3;
	v1 =	vnsel vm1, $0x0, v1;
	v0 =	vmin.u32 v0, $0x18F  }
0x34: {  	v4 =	vadd.s32 $0xFFFFFFE7, v4;
	v1 =	vmin.u32 v1, $0x18F;
	[tilespmem:$0xF0] =	vst v0  }
0x35: {  	vm1 =	vgt.s32 v3, $0x0;
	vm0 =	vgt.s32 v4, $0x0;
	v0 =	vadd.s32 $0xFFFFFFE7, v5;
	[tilespmem:$0xE0] =	vst v1  }
0x36: {  	v1 =	vnsel vm0, $0x0, v4;
	vm0 =	vgt.s32 v2, $0x0;
	vm2 =	vgt.s32 v0, $0x0  }
.Ltmp1:
0x37: {  	v1 =	vmin.u32 v1, $0x18F;
	v2 =	vnsel vm0, $0x0, v2;
	v4 =	vadd.s32 $0xFFFFFFE7, v7;
	(pc) =	sbr.rel @p0 .LBB2_1-.Ltmp1, $4  }
0x38: {  	[tilespmem:$0x80] =	vst v1;
	v1 =	vnsel vm1, $0x0, v3;
	v2 =	vmin.u32 v2, $0x18F;
	vm0 =	vgt.s32 v4, $0x0  }
0x39: {  	v0 =	vnsel vm2, $0x0, v0;
	v1 =	vmin.u32 v1, $0x18F;
	[tilespmem:$0xA0] =	vst v2;
	v2 =	vadd.s32 $0xFFFFFFE7, v6  }
0x3a: {  	v3 =	vnsel vm0, $0x0, v4;
	[tilespmem:$0x90] =	vst v1;
	vm1 =	vgt.s32 v2, $0x0;
	v1 =	vmin.u32 v0, $0x18F  }
0x3b: {  	v0 =	vnsel vm1, $0x0, v2;
	[tilespmem:$0xC0] =	vst v1;
	v1 =	vmin.u32 v3, $0x18F  }
.LBB2_2:
0x3c: {  	v0 =	vmin.u32 v0, $0x18F;
	[tilespmem:$0xD0] =	vst v1  }
0x3d: {  	[tilespmem:$0xB0] =	vst v0  }
0x3e: {  	[tilespmem:s8], [sflag:$0x1] =	stream.indirect.gather [hbm4b:s5+s7], $0x80, s7, s7, $0xb8;
	[tilespmem:$0x4100] =	vst v63  }
0x3f: {  	_ =	swait.ge [sflag:s9], $0x4000  }
0x40: {  	[sflag:s9] =	ssyncset.done $0x0  }
0x41: {  	[sflag:s9] =	ssyncadd.s32 $0xFFFFC000  }
0x42: {  	[hbm4b:s6+s2] =	stream.linear.scatter [tilespmem:s8], [sflag:$0x2], $0x4000, $0x38;
	[tilespmem:$0x4100] =	vst v63  }
0x43: {  	_ =	swait.ge [sflag:s3], $0x4000  }
0x44: {  	[sflag:s3] =	ssyncset.done $0x0  }
0x45: {  	[sflag:s3] =	ssyncadd.s32 $0xFFFFC000  }
0x46: {  	_ =	sfence.sel $0x180000  }
0x47: {  	[bflag:$0x0] =	sbarrier.arrive $0xFFFF  }
0x48: {  	p0 =	sne.s32 s0, $0x0;
	_ =	strace $0x90000047  }
0x49: {  	s0 =	sadd.s32 @!p0 $0x100000, s1;
	[bflag:$0x2] =	sbarrier.arrive $0xFFFF  }
0x4a: {  	[sflag:s0] =	ssyncadd.tile.s32 @!p0 $0x1;
	_ =	shalt  }
.Lfunc_end2:
_tile_overlayer_lowered:
.L_overlay_start_2:
0x4b: {  	(tag) =	ssettag $0x2  }
0x4c: {  	s0 =	rddreg [dreg:$0x0];
	s2 =	stileid.u32  }
0x4d: {  	s1 =	rddreg [dreg:$0x1];
	p0 =	sne.s32 s2, $0x0  }
0x4e: {  	s3 =	rddreg [dreg:$0x2];
	[bflag:$0x3] =	sbarrier.arrive $0xFFFF;
	s2 =	simm.s32 @!p0 $0x1C02  }
0x4f: {  	[timem:s3], [sflag:s2] =	dma.local @!p0 [hbm:s0], s1  }
0x50: {  	s0 =	simm.s32 @!p0 $0x2  }
0x51: {  	_ =	swait.ge @!p0 [sflag:s0], s1  }
0x52: {  	s1 =	ssub.s32 @!p0 $0x0, s1;
	[sflag:s0] =	ssyncset.done @!p0 $0x0  }
0x53: {  	[sflag:s0] =	ssyncadd.s32 @!p0 s1  }
0x54: {  	[bflag:$0x3] =	sbarrier.arrive $0xFFFF  }
0x55: {  	_ =	shalt  }

</sc_bundles>
